<compile_context>
chip_gen: v7x
topology: tpu7x:2x2x1
jax: 0.10.2.dev20260603
libtpu: 0.0.44.dev20260713+nightly
codegen_flags: <defaults>
</compile_context>

<pallas_src>
import functools

import jax
import jax.numpy as jnp
from jax import lax
from jax.experimental import pallas as pl
from jax.experimental.pallas import tpu as pltpu
from jax.experimental.pallas import tpu_sc as plsc

D_POS = 128
NUM_CORES = 2
NUM_SUBCORES = 16
NUM_WORKERS = NUM_CORES * NUM_SUBCORES
CHUNK = 128
NBUF = 4


@functools.partial(jax.jit, static_argnames=("total_rows",))
def _sc_gather(pos2d, pe, *, total_rows):
    rows_per_worker = total_rows // NUM_WORKERS
    cpw = rows_per_worker // CHUNK
    mesh = plsc.VectorSubcoreMesh(
        core_axis_name="c",
        subcore_axis_name="s",
        num_cores=NUM_CORES,
        num_subcores=NUM_SUBCORES,
    )

    @functools.partial(
        pl.kernel,
        out_type=jax.ShapeDtypeStruct((total_rows, D_POS), jnp.float32),
        mesh=mesh,
        scratch_types=[
            pltpu.VMEM((cpw, CHUNK), jnp.int32),
            pltpu.VMEM((NBUF, CHUNK, D_POS), jnp.float32),
            pltpu.VMEM_SHARED((pe.shape[0], D_POS), jnp.float32),
            pltpu.SemaphoreType.DMA,
            pltpu.SemaphoreType.DMA,
        ],
    )
    def gather_kernel(pos_hbm, pe_hbm, out_hbm, idx_all, rows_v, pe_sh, gsem, ssem):
        c = lax.axis_index("c")
        s = lax.axis_index("s")
        wid = s * NUM_CORES + c
        base = wid * rows_per_worker

        @pl.when(s == 0)
        def _stage_pe():
            pltpu.sync_copy(pe_hbm, pe_sh)

        plsc.subcore_barrier()

        pltpu.sync_copy(pos_hbm.at[pl.ds(wid * cpw, cpw), :], idx_all)

        def start_gather(g, b, src):
            pltpu.async_copy(src.at[idx_all.at[g]], rows_v.at[b], gsem)

        def wait_gather(b):
            pltpu.make_async_copy(
                out_hbm.at[pl.ds(0, CHUNK), :], rows_v.at[b], gsem
            ).wait()

        def start_store(g, b):
            pltpu.async_copy(
                rows_v.at[b], out_hbm.at[pl.ds(base + g * CHUNK, CHUNK), :], ssem
            )

        def wait_store(b):
            pltpu.make_async_copy(
                rows_v.at[b], out_hbm.at[pl.ds(0, CHUNK), :], ssem
            ).wait()

        start_gather(0, 0, pe_sh)

        def body(q, carry):
            for b in range(NBUF):
                p = q * NBUF + b
                nb = (b + 1) % NBUF

                @pl.when(p + 1 - NBUF >= 0)
                def _():
                    wait_store(nb)

                @pl.when(p + 1 < cpw)
                def _():
                    start_gather(p + 1, nb, pe_sh)

                wait_gather(b)
                start_store(p, b)
            return carry

        lax.fori_loop(0, cpw // NBUF, body, 0, unroll=False)

        for _ in range(NBUF - 1):
            wait_store(0)

    return gather_kernel(pos2d, pe)


def kernel(pos, pe):
    batch, seq = pos.shape
    total_rows = batch * seq
    pos2d = pos.reshape(total_rows // CHUNK, CHUNK).astype(jnp.int32)
    out = _sc_gather(pos2d, pe, total_rows=total_rows)
    return out.reshape(batch, seq, D_POS)

# --- scband reference (transcript-rebuilt; emitter-appended) ---
"""Pipeline reference for scband-positional-encoding-25675314495687 (READ-ONLY COPY).

The authoritative reference and input builder live on the scoring server;
editing this copy changes nothing except your own understanding.
"""

import math
import jax, jax.numpy as jnp
import numpy as np

D_POS = 128
MAX_POS = 500

def make_pe(d_pos=D_POS, max_pos=MAX_POS):
    position = np.arange(0, max_pos, dtype=np.float32)[:, None]
    weight = np.exp(np.arange(0, d_pos, 2, dtype=np.float32) * -(math.log(10000.0) / d_pos))
    pe = np.zeros((max_pos, d_pos), dtype=np.float32)
    pe[:, 0::2] = np.sin(position * weight)
    pe[:, 1::2] = np.cos(position * weight)
    return jnp.asarray(pe)

def setup_inputs(seed: int = 0) -> dict:
    key = jax.random.key(seed)
    pos = jax.random.randint(key, (4096, 200), 0, MAX_POS, dtype=jnp.int64) if jax.config.jax_enable_x64 else jax.random.randint(key, (4096, 200), 0, MAX_POS, dtype=jnp.int32)
    pe = make_pe()
    return {"pos": pos, "pe": pe}

def reference(pos, pe):
    # F.embedding(pos, pe) == row gather from pe
    pos_embed = jnp.take(pe, pos, axis=0)
    return pos_embed

if __name__ == "__main__":
    import jax
    _d = setup_inputs()
    print(jax.jit(kernel)(*tuple(_d.values())))

</pallas_src>

<mosaic_0001>
#map = affine_map<(d0, d1) -> (0, 0)>
module attributes {stable_mosaic.version = 14 : i64} {
  func.func @gather_kernel(%arg0: i32, %arg1: i32, %arg2: memref<6400x128xi32, #tpu.memory_space<hbm>>, %arg3: memref<500x128xf32, #tpu.memory_space<hbm>>, %arg4: memref<819200x128xf32, #tpu.memory_space<hbm>>, %arg5: memref<200x128xi32, #tpu.memory_space<vmem>>, %arg6: memref<4x128x128xf32, #tpu.memory_space<vmem>>, %arg7: memref<500x128xf32, #tpu.memory_space<vmem_shared>>, %arg8: memref<!tpu.dma_semaphore, #tpu.memory_space<semaphore_mem>>, %arg9: memref<!tpu.dma_semaphore, #tpu.memory_space<semaphore_mem>>) attributes {dimension_semantics = [#tpu.dimension_semantics<core_parallel>, #tpu.dimension_semantics<subcore_parallel>], iteration_bounds = array<i64: 2, 16>, scalar_prefetch = 0 : i64, scratch_operands = 5 : i64, tpu.core_type = #tpu.core_type<sc_vector_subcore>, window_params = [{transform_indices = #map}, {transform_indices = #map}, {transform_indices = #map}]} {
    %mul3A = arith.constant 2 : i32
    %mul3A_0 = arith.muli %arg1, %mul3A : i32
    %add3A = arith.addi %mul3A_0, %arg0 : i32
    %mul3A_1 = arith.constant 25600 : i32
    %mul3A_2 = arith.muli %add3A, %mul3A_1 : i32
    %eq3A = arith.constant 0 : i32
    %eq3A_3 = arith.cmpi eq, %arg1, %eq3A : i32
    %convert_element_type3A = arith.extui %eq3A_3 : i1 to i32
    %cond3A = arith.constant 0 : i32
    %cond3A_4 = arith.cmpi ne, %convert_element_type3A, %cond3A : i32
    scf.if %cond3A_4 {
      "tpu.region"() ({
        %run_scoped3A = tpu.sem_alloc : memref<!tpu.dma_semaphore, #tpu.memory_space<semaphore_mem>>
        tpu.enqueue_dma source(%arg3 : memref<500x128xf32, #tpu.memory_space<hbm>>) target(%arg7 : memref<500x128xf32, #tpu.memory_space<vmem_shared>>) target_semaphore(%run_scoped3A : memref<!tpu.dma_semaphore, #tpu.memory_space<semaphore_mem>>)
        tpu.wait_dma2 semaphore(%run_scoped3A : memref<!tpu.dma_semaphore, #tpu.memory_space<semaphore_mem>>) src(%arg3 : memref<500x128xf32, #tpu.memory_space<hbm>>) dst(%arg7 : memref<500x128xf32, #tpu.memory_space<vmem_shared>>)
        tpu.yield
      }) : () -> ()
    } else {
    }
    %barrier3A = arith.constant 0 : index
    tpu.barrier barrier_id(%barrier3A)
    %mul3A_5 = arith.constant 200 : i32
    %mul3A_6 = arith.muli %add3A, %mul3A_5 : i32
    "tpu.region"() ({
      %run_scoped3A = tpu.sem_alloc : memref<!tpu.dma_semaphore, #tpu.memory_space<semaphore_mem>>
      %dma_start3A_67 = arith.constant 0 : i32
      %dma_start3A_68 = tpu.memref_slice %arg2[%mul3A_6, %dma_start3A_67] : memref<6400x128xi32, #tpu.memory_space<hbm>> -> memref<200x128xi32, #tpu.memory_space<hbm>>
      %dma_start3A_69 = arith.constant 0 : i32
      %dma_start3A_70 = tpu.memref_slice %arg2[%mul3A_6, %dma_start3A_69] : memref<6400x128xi32, #tpu.memory_space<hbm>> -> memref<200x128xi32, #tpu.memory_space<hbm>>
      tpu.enqueue_dma source(%dma_start3A_70 : memref<200x128xi32, #tpu.memory_space<hbm>>) target(%arg5 : memref<200x128xi32, #tpu.memory_space<vmem>>) target_semaphore(%run_scoped3A : memref<!tpu.dma_semaphore, #tpu.memory_space<semaphore_mem>>)
      %dma_wait3A_71 = arith.constant 0 : i32
      %dma_wait3A_72 = tpu.memref_slice %arg2[%mul3A_6, %dma_wait3A_71] : memref<6400x128xi32, #tpu.memory_space<hbm>> -> memref<200x128xi32, #tpu.memory_space<hbm>>
      %dma_wait3A_73 = arith.constant 0 : i32
      %dma_wait3A_74 = tpu.memref_slice %arg2[%mul3A_6, %dma_wait3A_73] : memref<6400x128xi32, #tpu.memory_space<hbm>> -> memref<200x128xi32, #tpu.memory_space<hbm>>
      tpu.wait_dma2 semaphore(%run_scoped3A : memref<!tpu.dma_semaphore, #tpu.memory_space<semaphore_mem>>) src(%dma_wait3A_74 : memref<200x128xi32, #tpu.memory_space<hbm>>) dst(%arg5 : memref<200x128xi32, #tpu.memory_space<vmem>>)
      tpu.yield
    }) : () -> ()
    %dma_start3A = arith.constant 0 : i32
    %dma_start3A_7 = arith.constant 0 : i32
    %dma_start3A_8 = arith.constant 0 : i32
    %dma_start3A_9 = arith.constant 0 : i32
    %dma_start3A_10 = tpu.memref_slice %arg6[%dma_start3A_7, %dma_start3A_8, %dma_start3A_9] : memref<4x128x128xf32, #tpu.memory_space<vmem>> -> memref<1x128x128xf32, #tpu.memory_space<vmem>>
    %dma_start3A_11 = tpu.memref_squeeze %dma_start3A_10 : memref<1x128x128xf32, #tpu.memory_space<vmem>> -> memref<128x128xf32, #tpu.memory_space<vmem>>
    %dma_start3A_12 = arith.constant 0 : i32
    %dma_start3A_13 = tpu.memref_slice %arg5[%dma_start3A, %dma_start3A_12] : memref<200x128xi32, #tpu.memory_space<vmem>> -> memref<1x128xi32, #tpu.memory_space<vmem>>
    %dma_start3A_14 = tpu.memref_squeeze %dma_start3A_13 : memref<1x128xi32, #tpu.memory_space<vmem>> -> memref<128xi32, #tpu.memory_space<vmem>>
    %dma_start3A_15 = arith.constant 0 : i32
    %dma_start3A_16 = arith.constant 0 : i32
    %dma_start3A_17 = tpu.memref_slice %arg7[%dma_start3A_15, %dma_start3A_16] : memref<500x128xf32, #tpu.memory_space<vmem_shared>> -> memref<500x128xf32, #tpu.memory_space<vmem_shared>>
    tpu.enqueue_indirect_dma source(%dma_start3A_17 : memref<500x128xf32, #tpu.memory_space<vmem_shared>>) target(%dma_start3A_11 : memref<128x128xf32, #tpu.memory_space<vmem>>) offsets(%dma_start3A_14 : memref<128xi32, #tpu.memory_space<vmem>>) semaphore(%arg8 : memref<!tpu.dma_semaphore, #tpu.memory_space<semaphore_mem>>)
    %scan3A = arith.constant 0 : i32
    %scan3A_18 = arith.constant 0 : i32
    %scan3A_19 = arith.constant 50 : i32
    %scan3A_20 = arith.addi %scan3A_18, %scan3A_19 : i32
    %scan3A_21 = arith.constant 1 : i32
    scf.for %scan3A_67 = %scan3A_18 to %scan3A_20 step %scan3A_21  : i32 {
      %mul3A_68 = arith.constant 4 : i32
      %mul3A_69 = arith.muli %scan3A_67, %mul3A_68 : i32
      %add3A_70 = arith.constant 0 : i32
      %add3A_71 = arith.addi %mul3A_69, %add3A_70 : i32
      %add3A_72 = arith.constant 1 : i32
      %add3A_73 = arith.addi %add3A_71, %add3A_72 : i32
      %sub3A = arith.constant 4 : i32
      %sub3A_74 = arith.subi %add3A_73, %sub3A : i32
      %ge3A = arith.constant 0 : i32
      %ge3A_75 = arith.cmpi sge, %sub3A_74, %ge3A : i32
      %convert_element_type3A_76 = arith.extui %ge3A_75 : i1 to i32
      %cond3A_77 = arith.constant 0 : i32
      %cond3A_78 = arith.cmpi ne, %convert_element_type3A_76, %cond3A_77 : i32
      scf.if %cond3A_78 {
        %dma_wait3A_269 = arith.constant 1 : i32
        %dma_wait3A_270 = arith.constant 0 : i32
        %dma_wait3A_271 = arith.constant 0 : i32
        %dma_wait3A_272 = tpu.memref_slice %arg6[%dma_wait3A_269, %dma_wait3A_270, %dma_wait3A_271] : memref<4x128x128xf32, #tpu.memory_space<vmem>> -> memref<1x128x128xf32, #tpu.memory_space<vmem>>
        %dma_wait3A_273 = tpu.memref_squeeze %dma_wait3A_272 : memref<1x128x128xf32, #tpu.memory_space<vmem>> -> memref<128x128xf32, #tpu.memory_space<vmem>>
        %dma_wait3A_274 = arith.constant 0 : i32
        %dma_wait3A_275 = arith.constant 0 : i32
        %dma_wait3A_276 = tpu.memref_slice %arg4[%dma_wait3A_274, %dma_wait3A_275] : memref<819200x128xf32, #tpu.memory_space<hbm>> -> memref<128x128xf32, #tpu.memory_space<hbm>>
        %dma_wait3A_277 = arith.constant 0 : i32
        %dma_wait3A_278 = arith.constant 0 : i32
        %dma_wait3A_279 = tpu.memref_slice %arg4[%dma_wait3A_277, %dma_wait3A_278] : memref<819200x128xf32, #tpu.memory_space<hbm>> -> memref<128x128xf32, #tpu.memory_space<hbm>>
        %dma_wait3A_280 = arith.constant 0 : i32
        %dma_wait3A_281 = arith.constant 0 : i32
        %dma_wait3A_282 = tpu.memref_slice %arg6[%dma_wait3A_269, %dma_wait3A_280, %dma_wait3A_281] : memref<4x128x128xf32, #tpu.memory_space<vmem>> -> memref<1x128x128xf32, #tpu.memory_space<vmem>>
        %dma_wait3A_283 = tpu.memref_squeeze %dma_wait3A_282 : memref<1x128x128xf32, #tpu.memory_space<vmem>> -> memref<128x128xf32, #tpu.memory_space<vmem>>
        tpu.wait_dma2 semaphore(%arg9 : memref<!tpu.dma_semaphore, #tpu.memory_space<semaphore_mem>>) src(%dma_wait3A_283 : memref<128x128xf32, #tpu.memory_space<vmem>>) dst(%dma_wait3A_279 : memref<128x128xf32, #tpu.memory_space<hbm>>)
      } else {
      }
      %add3A_79 = arith.constant 1 : i32
      %add3A_80 = arith.addi %add3A_71, %add3A_79 : i32
      %lt3A = arith.constant 200 : i32
      %lt3A_81 = arith.cmpi slt, %add3A_80, %lt3A : i32
      %convert_element_type3A_82 = arith.extui %lt3A_81 : i1 to i32
      %cond3A_83 = arith.constant 0 : i32
      %cond3A_84 = arith.cmpi ne, %convert_element_type3A_82, %cond3A_83 : i32
      scf.if %cond3A_84 {
        %add3A_269 = arith.constant 1 : i32
        %add3A_270 = arith.addi %add3A_71, %add3A_269 : i32
        %dma_start3A_271 = arith.constant 1 : i32
        %dma_start3A_272 = arith.constant 0 : i32
        %dma_start3A_273 = arith.constant 0 : i32
        %dma_start3A_274 = tpu.memref_slice %arg6[%dma_start3A_271, %dma_start3A_272, %dma_start3A_273] : memref<4x128x128xf32, #tpu.memory_space<vmem>> -> memref<1x128x128xf32, #tpu.memory_space<vmem>>
        %dma_start3A_275 = tpu.memref_squeeze %dma_start3A_274 : memref<1x128x128xf32, #tpu.memory_space<vmem>> -> memref<128x128xf32, #tpu.memory_space<vmem>>
        %dma_start3A_276 = arith.constant 0 : i32
        %dma_start3A_277 = tpu.memref_slice %arg5[%add3A_270, %dma_start3A_276] : memref<200x128xi32, #tpu.memory_space<vmem>> -> memref<1x128xi32, #tpu.memory_space<vmem>>
        %dma_start3A_278 = tpu.memref_squeeze %dma_start3A_277 : memref<1x128xi32, #tpu.memory_space<vmem>> -> memref<128xi32, #tpu.memory_space<vmem>>
        %dma_start3A_279 = arith.constant 0 : i32
        %dma_start3A_280 = arith.constant 0 : i32
        %dma_start3A_281 = tpu.memref_slice %arg7[%dma_start3A_279, %dma_start3A_280] : memref<500x128xf32, #tpu.memory_space<vmem_shared>> -> memref<500x128xf32, #tpu.memory_space<vmem_shared>>
        tpu.enqueue_indirect_dma source(%dma_start3A_281 : memref<500x128xf32, #tpu.memory_space<vmem_shared>>) target(%dma_start3A_275 : memref<128x128xf32, #tpu.memory_space<vmem>>) offsets(%dma_start3A_278 : memref<128xi32, #tpu.memory_space<vmem>>) semaphore(%arg8 : memref<!tpu.dma_semaphore, #tpu.memory_space<semaphore_mem>>)
      } else {
      }
      %dma_wait3A_85 = arith.constant 0 : i32
      %dma_wait3A_86 = arith.constant 0 : i32
      %dma_wait3A_87 = arith.constant 0 : i32
      %dma_wait3A_88 = tpu.memref_slice %arg6[%dma_wait3A_85, %dma_wait3A_86, %dma_wait3A_87] : memref<4x128x128xf32, #tpu.memory_space<vmem>> -> memref<1x128x128xf32, #tpu.memory_space<vmem>>
      %dma_wait3A_89 = tpu.memref_squeeze %dma_wait3A_88 : memref<1x128x128xf32, #tpu.memory_space<vmem>> -> memref<128x128xf32, #tpu.memory_space<vmem>>
      %dma_wait3A_90 = arith.constant 0 : i32
      %dma_wait3A_91 = arith.constant 0 : i32
      %dma_wait3A_92 = tpu.memref_slice %arg4[%dma_wait3A_90, %dma_wait3A_91] : memref<819200x128xf32, #tpu.memory_space<hbm>> -> memref<128x128xf32, #tpu.memory_space<hbm>>
      %dma_wait3A_93 = arith.constant 0 : i32
      %dma_wait3A_94 = arith.constant 0 : i32
      %dma_wait3A_95 = tpu.memref_slice %arg6[%dma_wait3A_85, %dma_wait3A_93, %dma_wait3A_94] : memref<4x128x128xf32, #tpu.memory_space<vmem>> -> memref<1x128x128xf32, #tpu.memory_space<vmem>>
      %dma_wait3A_96 = tpu.memref_squeeze %dma_wait3A_95 : memref<1x128x128xf32, #tpu.memory_space<vmem>> -> memref<128x128xf32, #tpu.memory_space<vmem>>
      %dma_wait3A_97 = arith.constant 0 : i32
      %dma_wait3A_98 = arith.constant 0 : i32
      %dma_wait3A_99 = tpu.memref_slice %arg4[%dma_wait3A_97, %dma_wait3A_98] : memref<819200x128xf32, #tpu.memory_space<hbm>> -> memref<128x128xf32, #tpu.memory_space<hbm>>
      tpu.wait_dma2 semaphore(%arg8 : memref<!tpu.dma_semaphore, #tpu.memory_space<semaphore_mem>>) src(%dma_wait3A_99 : memref<128x128xf32, #tpu.memory_space<hbm>>) dst(%dma_wait3A_96 : memref<128x128xf32, #tpu.memory_space<vmem>>)
      %mul3A_100 = arith.constant 128 : i32
      %mul3A_101 = arith.muli %add3A_71, %mul3A_100 : i32
      %add3A_102 = arith.addi %mul3A_2, %mul3A_101 : i32
      %dma_start3A_103 = arith.constant 0 : i32
      %dma_start3A_104 = arith.constant 0 : i32
      %dma_start3A_105 = arith.constant 0 : i32
      %dma_start3A_106 = tpu.memref_slice %arg6[%dma_start3A_103, %dma_start3A_104, %dma_start3A_105] : memref<4x128x128xf32, #tpu.memory_space<vmem>> -> memref<1x128x128xf32, #tpu.memory_space<vmem>>
      %dma_start3A_107 = tpu.memref_squeeze %dma_start3A_106 : memref<1x128x128xf32, #tpu.memory_space<vmem>> -> memref<128x128xf32, #tpu.memory_space<vmem>>
      %dma_start3A_108 = arith.constant 0 : i32
      %dma_start3A_109 = tpu.memref_slice %arg4[%add3A_102, %dma_start3A_108] : memref<819200x128xf32, #tpu.memory_space<hbm>> -> memref<128x128xf32, #tpu.memory_space<hbm>>
      %dma_start3A_110 = arith.constant 0 : i32
      %dma_start3A_111 = tpu.memref_slice %arg4[%add3A_102, %dma_start3A_110] : memref<819200x128xf32, #tpu.memory_space<hbm>> -> memref<128x128xf32, #tpu.memory_space<hbm>>
      %dma_start3A_112 = arith.constant 0 : i32
      %dma_start3A_113 = arith.constant 0 : i32
      %dma_start3A_114 = tpu.memref_slice %arg6[%dma_start3A_103, %dma_start3A_112, %dma_start3A_113] : memref<4x128x128xf32, #tpu.memory_space<vmem>> -> memref<1x128x128xf32, #tpu.memory_space<vmem>>
      %dma_start3A_115 = tpu.memref_squeeze %dma_start3A_114 : memref<1x128x128xf32, #tpu.memory_space<vmem>> -> memref<128x128xf32, #tpu.memory_space<vmem>>
      tpu.enqueue_dma source(%dma_start3A_115 : memref<128x128xf32, #tpu.memory_space<vmem>>) target(%dma_start3A_111 : memref<128x128xf32, #tpu.memory_space<hbm>>) target_semaphore(%arg9 : memref<!tpu.dma_semaphore, #tpu.memory_space<semaphore_mem>>)
      %mul3A_116 = arith.constant 4 : i32
      %mul3A_117 = arith.muli %scan3A_67, %mul3A_116 : i32
      %add3A_118 = arith.constant 1 : i32
      %add3A_119 = arith.addi %mul3A_117, %add3A_118 : i32
      %add3A_120 = arith.constant 1 : i32
      %add3A_121 = arith.addi %add3A_119, %add3A_120 : i32
      %sub3A_122 = arith.constant 4 : i32
      %sub3A_123 = arith.subi %add3A_121, %sub3A_122 : i32
      %ge3A_124 = arith.constant 0 : i32
      %ge3A_125 = arith.cmpi sge, %sub3A_123, %ge3A_124 : i32
      %convert_element_type3A_126 = arith.extui %ge3A_125 : i1 to i32
      %cond3A_127 = arith.constant 0 : i32
      %cond3A_128 = arith.cmpi ne, %convert_element_type3A_126, %cond3A_127 : i32
      scf.if %cond3A_128 {
        %dma_wait3A_269 = arith.constant 2 : i32
        %dma_wait3A_270 = arith.constant 0 : i32
        %dma_wait3A_271 = arith.constant 0 : i32
        %dma_wait3A_272 = tpu.memref_slice %arg6[%dma_wait3A_269, %dma_wait3A_270, %dma_wait3A_271] : memref<4x128x128xf32, #tpu.memory_space<vmem>> -> memref<1x128x128xf32, #tpu.memory_space<vmem>>
        %dma_wait3A_273 = tpu.memref_squeeze %dma_wait3A_272 : memref<1x128x128xf32, #tpu.memory_space<vmem>> -> memref<128x128xf32, #tpu.memory_space<vmem>>
        %dma_wait3A_274 = arith.constant 0 : i32
        %dma_wait3A_275 = arith.constant 0 : i32
        %dma_wait3A_276 = tpu.memref_slice %arg4[%dma_wait3A_274, %dma_wait3A_275] : memref<819200x128xf32, #tpu.memory_space<hbm>> -> memref<128x128xf32, #tpu.memory_space<hbm>>
        %dma_wait3A_277 = arith.constant 0 : i32
        %dma_wait3A_278 = arith.constant 0 : i32
        %dma_wait3A_279 = tpu.memref_slice %arg4[%dma_wait3A_277, %dma_wait3A_278] : memref<819200x128xf32, #tpu.memory_space<hbm>> -> memref<128x128xf32, #tpu.memory_space<hbm>>
        %dma_wait3A_280 = arith.constant 0 : i32
        %dma_wait3A_281 = arith.constant 0 : i32
        %dma_wait3A_282 = tpu.memref_slice %arg6[%dma_wait3A_269, %dma_wait3A_280, %dma_wait3A_281] : memref<4x128x128xf32, #tpu.memory_space<vmem>> -> memref<1x128x128xf32, #tpu.memory_space<vmem>>
        %dma_wait3A_283 = tpu.memref_squeeze %dma_wait3A_282 : memref<1x128x128xf32, #tpu.memory_space<vmem>> -> memref<128x128xf32, #tpu.memory_space<vmem>>
        tpu.wait_dma2 semaphore(%arg9 : memref<!tpu.dma_semaphore, #tpu.memory_space<semaphore_mem>>) src(%dma_wait3A_283 : memref<128x128xf32, #tpu.memory_space<vmem>>) dst(%dma_wait3A_279 : memref<128x128xf32, #tpu.memory_space<hbm>>)
      } else {
      }
      %add3A_129 = arith.constant 1 : i32
      %add3A_130 = arith.addi %add3A_119, %add3A_129 : i32
      %lt3A_131 = arith.constant 200 : i32
      %lt3A_132 = arith.cmpi slt, %add3A_130, %lt3A_131 : i32
      %convert_element_type3A_133 = arith.extui %lt3A_132 : i1 to i32
      %cond3A_134 = arith.constant 0 : i32
      %cond3A_135 = arith.cmpi ne, %convert_element_type3A_133, %cond3A_134 : i32
      scf.if %cond3A_135 {
        %add3A_269 = arith.constant 1 : i32
        %add3A_270 = arith.addi %add3A_119, %add3A_269 : i32
        %dma_start3A_271 = arith.constant 2 : i32
        %dma_start3A_272 = arith.constant 0 : i32
        %dma_start3A_273 = arith.constant 0 : i32
        %dma_start3A_274 = tpu.memref_slice %arg6[%dma_start3A_271, %dma_start3A_272, %dma_start3A_273] : memref<4x128x128xf32, #tpu.memory_space<vmem>> -> memref<1x128x128xf32, #tpu.memory_space<vmem>>
        %dma_start3A_275 = tpu.memref_squeeze %dma_start3A_274 : memref<1x128x128xf32, #tpu.memory_space<vmem>> -> memref<128x128xf32, #tpu.memory_space<vmem>>
        %dma_start3A_276 = arith.constant 0 : i32
        %dma_start3A_277 = tpu.memref_slice %arg5[%add3A_270, %dma_start3A_276] : memref<200x128xi32, #tpu.memory_space<vmem>> -> memref<1x128xi32, #tpu.memory_space<vmem>>
        %dma_start3A_278 = tpu.memref_squeeze %dma_start3A_277 : memref<1x128xi32, #tpu.memory_space<vmem>> -> memref<128xi32, #tpu.memory_space<vmem>>
        %dma_start3A_279 = arith.constant 0 : i32
        %dma_start3A_280 = arith.constant 0 : i32
        %dma_start3A_281 = tpu.memref_slice %arg7[%dma_start3A_279, %dma_start3A_280] : memref<500x128xf32, #tpu.memory_space<vmem_shared>> -> memref<500x128xf32, #tpu.memory_space<vmem_shared>>
        tpu.enqueue_indirect_dma source(%dma_start3A_281 : memref<500x128xf32, #tpu.memory_space<vmem_shared>>) target(%dma_start3A_275 : memref<128x128xf32, #tpu.memory_space<vmem>>) offsets(%dma_start3A_278 : memref<128xi32, #tpu.memory_space<vmem>>) semaphore(%arg8 : memref<!tpu.dma_semaphore, #tpu.memory_space<semaphore_mem>>)
      } else {
      }
      %dma_wait3A_136 = arith.constant 1 : i32
      %dma_wait3A_137 = arith.constant 0 : i32
      %dma_wait3A_138 = arith.constant 0 : i32
      %dma_wait3A_139 = tpu.memref_slice %arg6[%dma_wait3A_136, %dma_wait3A_137, %dma_wait3A_138] : memref<4x128x128xf32, #tpu.memory_space<vmem>> -> memref<1x128x128xf32, #tpu.memory_space<vmem>>
      %dma_wait3A_140 = tpu.memref_squeeze %dma_wait3A_139 : memref<1x128x128xf32, #tpu.memory_space<vmem>> -> memref<128x128xf32, #tpu.memory_space<vmem>>
      %dma_wait3A_141 = arith.constant 0 : i32
      %dma_wait3A_142 = arith.constant 0 : i32
      %dma_wait3A_143 = tpu.memref_slice %arg4[%dma_wait3A_141, %dma_wait3A_142] : memref<819200x128xf32, #tpu.memory_space<hbm>> -> memref<128x128xf32, #tpu.memory_space<hbm>>
      %dma_wait3A_144 = arith.constant 0 : i32
      %dma_wait3A_145 = arith.constant 0 : i32
      %dma_wait3A_146 = tpu.memref_slice %arg6[%dma_wait3A_136, %dma_wait3A_144, %dma_wait3A_145] : memref<4x128x128xf32, #tpu.memory_space<vmem>> -> memref<1x128x128xf32, #tpu.memory_space<vmem>>
      %dma_wait3A_147 = tpu.memref_squeeze %dma_wait3A_146 : memref<1x128x128xf32, #tpu.memory_space<vmem>> -> memref<128x128xf32, #tpu.memory_space<vmem>>
      %dma_wait3A_148 = arith.constant 0 : i32
      %dma_wait3A_149 = arith.constant 0 : i32
      %dma_wait3A_150 = tpu.memref_slice %arg4[%dma_wait3A_148, %dma_wait3A_149] : memref<819200x128xf32, #tpu.memory_space<hbm>> -> memref<128x128xf32, #tpu.memory_space<hbm>>
      tpu.wait_dma2 semaphore(%arg8 : memref<!tpu.dma_semaphore, #tpu.memory_space<semaphore_mem>>) src(%dma_wait3A_150 : memref<128x128xf32, #tpu.memory_space<hbm>>) dst(%dma_wait3A_147 : memref<128x128xf32, #tpu.memory_space<vmem>>)
      %mul3A_151 = arith.constant 128 : i32
      %mul3A_152 = arith.muli %add3A_119, %mul3A_151 : i32
      %add3A_153 = arith.addi %mul3A_2, %mul3A_152 : i32
      %dma_start3A_154 = arith.constant 1 : i32
      %dma_start3A_155 = arith.constant 0 : i32
      %dma_start3A_156 = arith.constant 0 : i32
      %dma_start3A_157 = tpu.memref_slice %arg6[%dma_start3A_154, %dma_start3A_155, %dma_start3A_156] : memref<4x128x128xf32, #tpu.memory_space<vmem>> -> memref<1x128x128xf32, #tpu.memory_space<vmem>>
      %dma_start3A_158 = tpu.memref_squeeze %dma_start3A_157 : memref<1x128x128xf32, #tpu.memory_space<vmem>> -> memref<128x128xf32, #tpu.memory_space<vmem>>
      %dma_start3A_159 = arith.constant 0 : i32
      %dma_start3A_160 = tpu.memref_slice %arg4[%add3A_153, %dma_start3A_159] : memref<819200x128xf32, #tpu.memory_space<hbm>> -> memref<128x128xf32, #tpu.memory_space<hbm>>
      %dma_start3A_161 = arith.constant 0 : i32
      %dma_start3A_162 = tpu.memref_slice %arg4[%add3A_153, %dma_start3A_161] : memref<819200x128xf32, #tpu.memory_space<hbm>> -> memref<128x128xf32, #tpu.memory_space<hbm>>
      %dma_start3A_163 = arith.constant 0 : i32
      %dma_start3A_164 = arith.constant 0 : i32
      %dma_start3A_165 = tpu.memref_slice %arg6[%dma_start3A_154, %dma_start3A_163, %dma_start3A_164] : memref<4x128x128xf32, #tpu.memory_space<vmem>> -> memref<1x128x128xf32, #tpu.memory_space<vmem>>
      %dma_start3A_166 = tpu.memref_squeeze %dma_start3A_165 : memref<1x128x128xf32, #tpu.memory_space<vmem>> -> memref<128x128xf32, #tpu.memory_space<vmem>>
      tpu.enqueue_dma source(%dma_start3A_166 : memref<128x128xf32, #tpu.memory_space<vmem>>) target(%dma_start3A_162 : memref<128x128xf32, #tpu.memory_space<hbm>>) target_semaphore(%arg9 : memref<!tpu.dma_semaphore, #tpu.memory_space<semaphore_mem>>)
      %mul3A_167 = arith.constant 4 : i32
      %mul3A_168 = arith.muli %scan3A_67, %mul3A_167 : i32
      %add3A_169 = arith.constant 2 : i32
      %add3A_170 = arith.addi %mul3A_168, %add3A_169 : i32
      %add3A_171 = arith.constant 1 : i32
      %add3A_172 = arith.addi %add3A_170, %add3A_171 : i32
      %sub3A_173 = arith.constant 4 : i32
      %sub3A_174 = arith.subi %add3A_172, %sub3A_173 : i32
      %ge3A_175 = arith.constant 0 : i32
      %ge3A_176 = arith.cmpi sge, %sub3A_174, %ge3A_175 : i32
      %convert_element_type3A_177 = arith.extui %ge3A_176 : i1 to i32
      %cond3A_178 = arith.constant 0 : i32
      %cond3A_179 = arith.cmpi ne, %convert_element_type3A_177, %cond3A_178 : i32
      scf.if %cond3A_179 {
        %dma_wait3A_269 = arith.constant 3 : i32
        %dma_wait3A_270 = arith.constant 0 : i32
        %dma_wait3A_271 = arith.constant 0 : i32
        %dma_wait3A_272 = tpu.memref_slice %arg6[%dma_wait3A_269, %dma_wait3A_270, %dma_wait3A_271] : memref<4x128x128xf32, #tpu.memory_space<vmem>> -> memref<1x128x128xf32, #tpu.memory_space<vmem>>
        %dma_wait3A_273 = tpu.memref_squeeze %dma_wait3A_272 : memref<1x128x128xf32, #tpu.memory_space<vmem>> -> memref<128x128xf32, #tpu.memory_space<vmem>>
        %dma_wait3A_274 = arith.constant 0 : i32
        %dma_wait3A_275 = arith.constant 0 : i32
        %dma_wait3A_276 = tpu.memref_slice %arg4[%dma_wait3A_274, %dma_wait3A_275] : memref<819200x128xf32, #tpu.memory_space<hbm>> -> memref<128x128xf32, #tpu.memory_space<hbm>>
        %dma_wait3A_277 = arith.constant 0 : i32
        %dma_wait3A_278 = arith.constant 0 : i32
        %dma_wait3A_279 = tpu.memref_slice %arg4[%dma_wait3A_277, %dma_wait3A_278] : memref<819200x128xf32, #tpu.memory_space<hbm>> -> memref<128x128xf32, #tpu.memory_space<hbm>>
        %dma_wait3A_280 = arith.constant 0 : i32
        %dma_wait3A_281 = arith.constant 0 : i32
        %dma_wait3A_282 = tpu.memref_slice %arg6[%dma_wait3A_269, %dma_wait3A_280, %dma_wait3A_281] : memref<4x128x128xf32, #tpu.memory_space<vmem>> -> memref<1x128x128xf32, #tpu.memory_space<vmem>>
        %dma_wait3A_283 = tpu.memref_squeeze %dma_wait3A_282 : memref<1x128x128xf32, #tpu.memory_space<vmem>> -> memref<128x128xf32, #tpu.memory_space<vmem>>
        tpu.wait_dma2 semaphore(%arg9 : memref<!tpu.dma_semaphore, #tpu.memory_space<semaphore_mem>>) src(%dma_wait3A_283 : memref<128x128xf32, #tpu.memory_space<vmem>>) dst(%dma_wait3A_279 : memref<128x128xf32, #tpu.memory_space<hbm>>)
      } else {
      }
      %add3A_180 = arith.constant 1 : i32
      %add3A_181 = arith.addi %add3A_170, %add3A_180 : i32
      %lt3A_182 = arith.constant 200 : i32
      %lt3A_183 = arith.cmpi slt, %add3A_181, %lt3A_182 : i32
      %convert_element_type3A_184 = arith.extui %lt3A_183 : i1 to i32
      %cond3A_185 = arith.constant 0 : i32
      %cond3A_186 = arith.cmpi ne, %convert_element_type3A_184, %cond3A_185 : i32
      scf.if %cond3A_186 {
        %add3A_269 = arith.constant 1 : i32
        %add3A_270 = arith.addi %add3A_170, %add3A_269 : i32
        %dma_start3A_271 = arith.constant 3 : i32
        %dma_start3A_272 = arith.constant 0 : i32
        %dma_start3A_273 = arith.constant 0 : i32
        %dma_start3A_274 = tpu.memref_slice %arg6[%dma_start3A_271, %dma_start3A_272, %dma_start3A_273] : memref<4x128x128xf32, #tpu.memory_space<vmem>> -> memref<1x128x128xf32, #tpu.memory_space<vmem>>
        %dma_start3A_275 = tpu.memref_squeeze %dma_start3A_274 : memref<1x128x128xf32, #tpu.memory_space<vmem>> -> memref<128x128xf32, #tpu.memory_space<vmem>>
        %dma_start3A_276 = arith.constant 0 : i32
        %dma_start3A_277 = tpu.memref_slice %arg5[%add3A_270, %dma_start3A_276] : memref<200x128xi32, #tpu.memory_space<vmem>> -> memref<1x128xi32, #tpu.memory_space<vmem>>
        %dma_start3A_278 = tpu.memref_squeeze %dma_start3A_277 : memref<1x128xi32, #tpu.memory_space<vmem>> -> memref<128xi32, #tpu.memory_space<vmem>>
        %dma_start3A_279 = arith.constant 0 : i32
        %dma_start3A_280 = arith.constant 0 : i32
        %dma_start3A_281 = tpu.memref_slice %arg7[%dma_start3A_279, %dma_start3A_280] : memref<500x128xf32, #tpu.memory_space<vmem_shared>> -> memref<500x128xf32, #tpu.memory_space<vmem_shared>>
        tpu.enqueue_indirect_dma source(%dma_start3A_281 : memref<500x128xf32, #tpu.memory_space<vmem_shared>>) target(%dma_start3A_275 : memref<128x128xf32, #tpu.memory_space<vmem>>) offsets(%dma_start3A_278 : memref<128xi32, #tpu.memory_space<vmem>>) semaphore(%arg8 : memref<!tpu.dma_semaphore, #tpu.memory_space<semaphore_mem>>)
      } else {
      }
      %dma_wait3A_187 = arith.constant 2 : i32
      %dma_wait3A_188 = arith.constant 0 : i32
      %dma_wait3A_189 = arith.constant 0 : i32
      %dma_wait3A_190 = tpu.memref_slice %arg6[%dma_wait3A_187, %dma_wait3A_188, %dma_wait3A_189] : memref<4x128x128xf32, #tpu.memory_space<vmem>> -> memref<1x128x128xf32, #tpu.memory_space<vmem>>
      %dma_wait3A_191 = tpu.memref_squeeze %dma_wait3A_190 : memref<1x128x128xf32, #tpu.memory_space<vmem>> -> memref<128x128xf32, #tpu.memory_space<vmem>>
      %dma_wait3A_192 = arith.constant 0 : i32
      %dma_wait3A_193 = arith.constant 0 : i32
      %dma_wait3A_194 = tpu.memref_slice %arg4[%dma_wait3A_192, %dma_wait3A_193] : memref<819200x128xf32, #tpu.memory_space<hbm>> -> memref<128x128xf32, #tpu.memory_space<hbm>>
      %dma_wait3A_195 = arith.constant 0 : i32
      %dma_wait3A_196 = arith.constant 0 : i32
      %dma_wait3A_197 = tpu.memref_slice %arg6[%dma_wait3A_187, %dma_wait3A_195, %dma_wait3A_196] : memref<4x128x128xf32, #tpu.memory_space<vmem>> -> memref<1x128x128xf32, #tpu.memory_space<vmem>>
      %dma_wait3A_198 = tpu.memref_squeeze %dma_wait3A_197 : memref<1x128x128xf32, #tpu.memory_space<vmem>> -> memref<128x128xf32, #tpu.memory_space<vmem>>
      %dma_wait3A_199 = arith.constant 0 : i32
      %dma_wait3A_200 = arith.constant 0 : i32
      %dma_wait3A_201 = tpu.memref_slice %arg4[%dma_wait3A_199, %dma_wait3A_200] : memref<819200x128xf32, #tpu.memory_space<hbm>> -> memref<128x128xf32, #tpu.memory_space<hbm>>
      tpu.wait_dma2 semaphore(%arg8 : memref<!tpu.dma_semaphore, #tpu.memory_space<semaphore_mem>>) src(%dma_wait3A_201 : memref<128x128xf32, #tpu.memory_space<hbm>>) dst(%dma_wait3A_198 : memref<128x128xf32, #tpu.memory_space<vmem>>)
      %mul3A_202 = arith.constant 128 : i32
      %mul3A_203 = arith.muli %add3A_170, %mul3A_202 : i32
      %add3A_204 = arith.addi %mul3A_2, %mul3A_203 : i32
      %dma_start3A_205 = arith.constant 2 : i32
      %dma_start3A_206 = arith.constant 0 : i32
      %dma_start3A_207 = arith.constant 0 : i32
      %dma_start3A_208 = tpu.memref_slice %arg6[%dma_start3A_205, %dma_start3A_206, %dma_start3A_207] : memref<4x128x128xf32, #tpu.memory_space<vmem>> -> memref<1x128x128xf32, #tpu.memory_space<vmem>>
      %dma_start3A_209 = tpu.memref_squeeze %dma_start3A_208 : memref<1x128x128xf32, #tpu.memory_space<vmem>> -> memref<128x128xf32, #tpu.memory_space<vmem>>
      %dma_start3A_210 = arith.constant 0 : i32
      %dma_start3A_211 = tpu.memref_slice %arg4[%add3A_204, %dma_start3A_210] : memref<819200x128xf32, #tpu.memory_space<hbm>> -> memref<128x128xf32, #tpu.memory_space<hbm>>
      %dma_start3A_212 = arith.constant 0 : i32
      %dma_start3A_213 = tpu.memref_slice %arg4[%add3A_204, %dma_start3A_212] : memref<819200x128xf32, #tpu.memory_space<hbm>> -> memref<128x128xf32, #tpu.memory_space<hbm>>
      %dma_start3A_214 = arith.constant 0 : i32
      %dma_start3A_215 = arith.constant 0 : i32
      %dma_start3A_216 = tpu.memref_slice %arg6[%dma_start3A_205, %dma_start3A_214, %dma_start3A_215] : memref<4x128x128xf32, #tpu.memory_space<vmem>> -> memref<1x128x128xf32, #tpu.memory_space<vmem>>
      %dma_start3A_217 = tpu.memref_squeeze %dma_start3A_216 : memref<1x128x128xf32, #tpu.memory_space<vmem>> -> memref<128x128xf32, #tpu.memory_space<vmem>>
      tpu.enqueue_dma source(%dma_start3A_217 : memref<128x128xf32, #tpu.memory_space<vmem>>) target(%dma_start3A_213 : memref<128x128xf32, #tpu.memory_space<hbm>>) target_semaphore(%arg9 : memref<!tpu.dma_semaphore, #tpu.memory_space<semaphore_mem>>)
      %mul3A_218 = arith.constant 4 : i32
      %mul3A_219 = arith.muli %scan3A_67, %mul3A_218 : i32
      %add3A_220 = arith.constant 3 : i32
      %add3A_221 = arith.addi %mul3A_219, %add3A_220 : i32
      %add3A_222 = arith.constant 1 : i32
      %add3A_223 = arith.addi %add3A_221, %add3A_222 : i32
      %sub3A_224 = arith.constant 4 : i32
      %sub3A_225 = arith.subi %add3A_223, %sub3A_224 : i32
      %ge3A_226 = arith.constant 0 : i32
      %ge3A_227 = arith.cmpi sge, %sub3A_225, %ge3A_226 : i32
      %convert_element_type3A_228 = arith.extui %ge3A_227 : i1 to i32
      %cond3A_229 = arith.constant 0 : i32
      %cond3A_230 = arith.cmpi ne, %convert_element_type3A_228, %cond3A_229 : i32
      scf.if %cond3A_230 {
        %dma_wait3A_269 = arith.constant 0 : i32
        %dma_wait3A_270 = arith.constant 0 : i32
        %dma_wait3A_271 = arith.constant 0 : i32
        %dma_wait3A_272 = tpu.memref_slice %arg6[%dma_wait3A_269, %dma_wait3A_270, %dma_wait3A_271] : memref<4x128x128xf32, #tpu.memory_space<vmem>> -> memref<1x128x128xf32, #tpu.memory_space<vmem>>
        %dma_wait3A_273 = tpu.memref_squeeze %dma_wait3A_272 : memref<1x128x128xf32, #tpu.memory_space<vmem>> -> memref<128x128xf32, #tpu.memory_space<vmem>>
        %dma_wait3A_274 = arith.constant 0 : i32
        %dma_wait3A_275 = arith.constant 0 : i32
        %dma_wait3A_276 = tpu.memref_slice %arg4[%dma_wait3A_274, %dma_wait3A_275] : memref<819200x128xf32, #tpu.memory_space<hbm>> -> memref<128x128xf32, #tpu.memory_space<hbm>>
        %dma_wait3A_277 = arith.constant 0 : i32
        %dma_wait3A_278 = arith.constant 0 : i32
        %dma_wait3A_279 = tpu.memref_slice %arg4[%dma_wait3A_277, %dma_wait3A_278] : memref<819200x128xf32, #tpu.memory_space<hbm>> -> memref<128x128xf32, #tpu.memory_space<hbm>>
        %dma_wait3A_280 = arith.constant 0 : i32
        %dma_wait3A_281 = arith.constant 0 : i32
        %dma_wait3A_282 = tpu.memref_slice %arg6[%dma_wait3A_269, %dma_wait3A_280, %dma_wait3A_281] : memref<4x128x128xf32, #tpu.memory_space<vmem>> -> memref<1x128x128xf32, #tpu.memory_space<vmem>>
        %dma_wait3A_283 = tpu.memref_squeeze %dma_wait3A_282 : memref<1x128x128xf32, #tpu.memory_space<vmem>> -> memref<128x128xf32, #tpu.memory_space<vmem>>
        tpu.wait_dma2 semaphore(%arg9 : memref<!tpu.dma_semaphore, #tpu.memory_space<semaphore_mem>>) src(%dma_wait3A_283 : memref<128x128xf32, #tpu.memory_space<vmem>>) dst(%dma_wait3A_279 : memref<128x128xf32, #tpu.memory_space<hbm>>)
      } else {
      }
      %add3A_231 = arith.constant 1 : i32
      %add3A_232 = arith.addi %add3A_221, %add3A_231 : i32
      %lt3A_233 = arith.constant 200 : i32
      %lt3A_234 = arith.cmpi slt, %add3A_232, %lt3A_233 : i32
      %convert_element_type3A_235 = arith.extui %lt3A_234 : i1 to i32
      %cond3A_236 = arith.constant 0 : i32
      %cond3A_237 = arith.cmpi ne, %convert_element_type3A_235, %cond3A_236 : i32
      scf.if %cond3A_237 {
        %add3A_269 = arith.constant 1 : i32
        %add3A_270 = arith.addi %add3A_221, %add3A_269 : i32
        %dma_start3A_271 = arith.constant 0 : i32
        %dma_start3A_272 = arith.constant 0 : i32
        %dma_start3A_273 = arith.constant 0 : i32
        %dma_start3A_274 = tpu.memref_slice %arg6[%dma_start3A_271, %dma_start3A_272, %dma_start3A_273] : memref<4x128x128xf32, #tpu.memory_space<vmem>> -> memref<1x128x128xf32, #tpu.memory_space<vmem>>
        %dma_start3A_275 = tpu.memref_squeeze %dma_start3A_274 : memref<1x128x128xf32, #tpu.memory_space<vmem>> -> memref<128x128xf32, #tpu.memory_space<vmem>>
        %dma_start3A_276 = arith.constant 0 : i32
        %dma_start3A_277 = tpu.memref_slice %arg5[%add3A_270, %dma_start3A_276] : memref<200x128xi32, #tpu.memory_space<vmem>> -> memref<1x128xi32, #tpu.memory_space<vmem>>
        %dma_start3A_278 = tpu.memref_squeeze %dma_start3A_277 : memref<1x128xi32, #tpu.memory_space<vmem>> -> memref<128xi32, #tpu.memory_space<vmem>>
        %dma_start3A_279 = arith.constant 0 : i32
        %dma_start3A_280 = arith.constant 0 : i32
        %dma_start3A_281 = tpu.memref_slice %arg7[%dma_start3A_279, %dma_start3A_280] : memref<500x128xf32, #tpu.memory_space<vmem_shared>> -> memref<500x128xf32, #tpu.memory_space<vmem_shared>>
        tpu.enqueue_indirect_dma source(%dma_start3A_281 : memref<500x128xf32, #tpu.memory_space<vmem_shared>>) target(%dma_start3A_275 : memref<128x128xf32, #tpu.memory_space<vmem>>) offsets(%dma_start3A_278 : memref<128xi32, #tpu.memory_space<vmem>>) semaphore(%arg8 : memref<!tpu.dma_semaphore, #tpu.memory_space<semaphore_mem>>)
      } else {
      }
      %dma_wait3A_238 = arith.constant 3 : i32
      %dma_wait3A_239 = arith.constant 0 : i32
      %dma_wait3A_240 = arith.constant 0 : i32
      %dma_wait3A_241 = tpu.memref_slice %arg6[%dma_wait3A_238, %dma_wait3A_239, %dma_wait3A_240] : memref<4x128x128xf32, #tpu.memory_space<vmem>> -> memref<1x128x128xf32, #tpu.memory_space<vmem>>
      %dma_wait3A_242 = tpu.memref_squeeze %dma_wait3A_241 : memref<1x128x128xf32, #tpu.memory_space<vmem>> -> memref<128x128xf32, #tpu.memory_space<vmem>>
      %dma_wait3A_243 = arith.constant 0 : i32
      %dma_wait3A_244 = arith.constant 0 : i32
      %dma_wait3A_245 = tpu.memref_slice %arg4[%dma_wait3A_243, %dma_wait3A_244] : memref<819200x128xf32, #tpu.memory_space<hbm>> -> memref<128x128xf32, #tpu.memory_space<hbm>>
      %dma_wait3A_246 = arith.constant 0 : i32
      %dma_wait3A_247 = arith.constant 0 : i32
      %dma_wait3A_248 = tpu.memref_slice %arg6[%dma_wait3A_238, %dma_wait3A_246, %dma_wait3A_247] : memref<4x128x128xf32, #tpu.memory_space<vmem>> -> memref<1x128x128xf32, #tpu.memory_space<vmem>>
      %dma_wait3A_249 = tpu.memref_squeeze %dma_wait3A_248 : memref<1x128x128xf32, #tpu.memory_space<vmem>> -> memref<128x128xf32, #tpu.memory_space<vmem>>
      %dma_wait3A_250 = arith.constant 0 : i32
      %dma_wait3A_251 = arith.constant 0 : i32
      %dma_wait3A_252 = tpu.memref_slice %arg4[%dma_wait3A_250, %dma_wait3A_251] : memref<819200x128xf32, #tpu.memory_space<hbm>> -> memref<128x128xf32, #tpu.memory_space<hbm>>
      tpu.wait_dma2 semaphore(%arg8 : memref<!tpu.dma_semaphore, #tpu.memory_space<semaphore_mem>>) src(%dma_wait3A_252 : memref<128x128xf32, #tpu.memory_space<hbm>>) dst(%dma_wait3A_249 : memref<128x128xf32, #tpu.memory_space<vmem>>)
      %mul3A_253 = arith.constant 128 : i32
      %mul3A_254 = arith.muli %add3A_221, %mul3A_253 : i32
      %add3A_255 = arith.addi %mul3A_2, %mul3A_254 : i32
      %dma_start3A_256 = arith.constant 3 : i32
      %dma_start3A_257 = arith.constant 0 : i32
      %dma_start3A_258 = arith.constant 0 : i32
      %dma_start3A_259 = tpu.memref_slice %arg6[%dma_start3A_256, %dma_start3A_257, %dma_start3A_258] : memref<4x128x128xf32, #tpu.memory_space<vmem>> -> memref<1x128x128xf32, #tpu.memory_space<vmem>>
      %dma_start3A_260 = tpu.memref_squeeze %dma_start3A_259 : memref<1x128x128xf32, #tpu.memory_space<vmem>> -> memref<128x128xf32, #tpu.memory_space<vmem>>
      %dma_start3A_261 = arith.constant 0 : i32
      %dma_start3A_262 = tpu.memref_slice %arg4[%add3A_255, %dma_start3A_261] : memref<819200x128xf32, #tpu.memory_space<hbm>> -> memref<128x128xf32, #tpu.memory_space<hbm>>
      %dma_start3A_263 = arith.constant 0 : i32
      %dma_start3A_264 = tpu.memref_slice %arg4[%add3A_255, %dma_start3A_263] : memref<819200x128xf32, #tpu.memory_space<hbm>> -> memref<128x128xf32, #tpu.memory_space<hbm>>
      %dma_start3A_265 = arith.constant 0 : i32
      %dma_start3A_266 = arith.constant 0 : i32
      %dma_start3A_267 = tpu.memref_slice %arg6[%dma_start3A_256, %dma_start3A_265, %dma_start3A_266] : memref<4x128x128xf32, #tpu.memory_space<vmem>> -> memref<1x128x128xf32, #tpu.memory_space<vmem>>
      %dma_start3A_268 = tpu.memref_squeeze %dma_start3A_267 : memref<1x128x128xf32, #tpu.memory_space<vmem>> -> memref<128x128xf32, #tpu.memory_space<vmem>>
      tpu.enqueue_dma source(%dma_start3A_268 : memref<128x128xf32, #tpu.memory_space<vmem>>) target(%dma_start3A_264 : memref<128x128xf32, #tpu.memory_space<hbm>>) target_semaphore(%arg9 : memref<!tpu.dma_semaphore, #tpu.memory_space<semaphore_mem>>)
    }
    %scan3A_22 = arith.constant 50 : i32
    %dma_wait3A = arith.constant 0 : i32
    %dma_wait3A_23 = arith.constant 0 : i32
    %dma_wait3A_24 = arith.constant 0 : i32
    %dma_wait3A_25 = tpu.memref_slice %arg6[%dma_wait3A, %dma_wait3A_23, %dma_wait3A_24] : memref<4x128x128xf32, #tpu.memory_space<vmem>> -> memref<1x128x128xf32, #tpu.memory_space<vmem>>
    %dma_wait3A_26 = tpu.memref_squeeze %dma_wait3A_25 : memref<1x128x128xf32, #tpu.memory_space<vmem>> -> memref<128x128xf32, #tpu.memory_space<vmem>>
    %dma_wait3A_27 = arith.constant 0 : i32
    %dma_wait3A_28 = arith.constant 0 : i32
    %dma_wait3A_29 = tpu.memref_slice %arg4[%dma_wait3A_27, %dma_wait3A_28] : memref<819200x128xf32, #tpu.memory_space<hbm>> -> memref<128x128xf32, #tpu.memory_space<hbm>>
    %dma_wait3A_30 = arith.constant 0 : i32
    %dma_wait3A_31 = arith.constant 0 : i32
    %dma_wait3A_32 = tpu.memref_slice %arg4[%dma_wait3A_30, %dma_wait3A_31] : memref<819200x128xf32, #tpu.memory_space<hbm>> -> memref<128x128xf32, #tpu.memory_space<hbm>>
    %dma_wait3A_33 = arith.constant 0 : i32
    %dma_wait3A_34 = arith.constant 0 : i32
    %dma_wait3A_35 = tpu.memref_slice %arg6[%dma_wait3A, %dma_wait3A_33, %dma_wait3A_34] : memref<4x128x128xf32, #tpu.memory_space<vmem>> -> memref<1x128x128xf32, #tpu.memory_space<vmem>>
    %dma_wait3A_36 = tpu.memref_squeeze %dma_wait3A_35 : memref<1x128x128xf32, #tpu.memory_space<vmem>> -> memref<128x128xf32, #tpu.memory_space<vmem>>
    tpu.wait_dma2 semaphore(%arg9 : memref<!tpu.dma_semaphore, #tpu.memory_space<semaphore_mem>>) src(%dma_wait3A_36 : memref<128x128xf32, #tpu.memory_space<vmem>>) dst(%dma_wait3A_32 : memref<128x128xf32, #tpu.memory_space<hbm>>)
    %dma_wait3A_37 = arith.constant 0 : i32
    %dma_wait3A_38 = arith.constant 0 : i32
    %dma_wait3A_39 = arith.constant 0 : i32
    %dma_wait3A_40 = tpu.memref_slice %arg6[%dma_wait3A_37, %dma_wait3A_38, %dma_wait3A_39] : memref<4x128x128xf32, #tpu.memory_space<vmem>> -> memref<1x128x128xf32, #tpu.memory_space<vmem>>
    %dma_wait3A_41 = tpu.memref_squeeze %dma_wait3A_40 : memref<1x128x128xf32, #tpu.memory_space<vmem>> -> memref<128x128xf32, #tpu.memory_space<vmem>>
    %dma_wait3A_42 = arith.constant 0 : i32
    %dma_wait3A_43 = arith.constant 0 : i32
    %dma_wait3A_44 = tpu.memref_slice %arg4[%dma_wait3A_42, %dma_wait3A_43] : memref<819200x128xf32, #tpu.memory_space<hbm>> -> memref<128x128xf32, #tpu.memory_space<hbm>>
    %dma_wait3A_45 = arith.constant 0 : i32
    %dma_wait3A_46 = arith.constant 0 : i32
    %dma_wait3A_47 = tpu.memref_slice %arg4[%dma_wait3A_45, %dma_wait3A_46] : memref<819200x128xf32, #tpu.memory_space<hbm>> -> memref<128x128xf32, #tpu.memory_space<hbm>>
    %dma_wait3A_48 = arith.constant 0 : i32
    %dma_wait3A_49 = arith.constant 0 : i32
    %dma_wait3A_50 = tpu.memref_slice %arg6[%dma_wait3A_37, %dma_wait3A_48, %dma_wait3A_49] : memref<4x128x128xf32, #tpu.memory_space<vmem>> -> memref<1x128x128xf32, #tpu.memory_space<vmem>>
    %dma_wait3A_51 = tpu.memref_squeeze %dma_wait3A_50 : memref<1x128x128xf32, #tpu.memory_space<vmem>> -> memref<128x128xf32, #tpu.memory_space<vmem>>
    tpu.wait_dma2 semaphore(%arg9 : memref<!tpu.dma_semaphore, #tpu.memory_space<semaphore_mem>>) src(%dma_wait3A_51 : memref<128x128xf32, #tpu.memory_space<vmem>>) dst(%dma_wait3A_47 : memref<128x128xf32, #tpu.memory_space<hbm>>)
    %dma_wait3A_52 = arith.constant 0 : i32
    %dma_wait3A_53 = arith.constant 0 : i32
    %dma_wait3A_54 = arith.constant 0 : i32
    %dma_wait3A_55 = tpu.memref_slice %arg6[%dma_wait3A_52, %dma_wait3A_53, %dma_wait3A_54] : memref<4x128x128xf32, #tpu.memory_space<vmem>> -> memref<1x128x128xf32, #tpu.memory_space<vmem>>
    %dma_wait3A_56 = tpu.memref_squeeze %dma_wait3A_55 : memref<1x128x128xf32, #tpu.memory_space<vmem>> -> memref<128x128xf32, #tpu.memory_space<vmem>>
    %dma_wait3A_57 = arith.constant 0 : i32
    %dma_wait3A_58 = arith.constant 0 : i32
    %dma_wait3A_59 = tpu.memref_slice %arg4[%dma_wait3A_57, %dma_wait3A_58] : memref<819200x128xf32, #tpu.memory_space<hbm>> -> memref<128x128xf32, #tpu.memory_space<hbm>>
    %dma_wait3A_60 = arith.constant 0 : i32
    %dma_wait3A_61 = arith.constant 0 : i32
    %dma_wait3A_62 = tpu.memref_slice %arg4[%dma_wait3A_60, %dma_wait3A_61] : memref<819200x128xf32, #tpu.memory_space<hbm>> -> memref<128x128xf32, #tpu.memory_space<hbm>>
    %dma_wait3A_63 = arith.constant 0 : i32
    %dma_wait3A_64 = arith.constant 0 : i32
    %dma_wait3A_65 = tpu.memref_slice %arg6[%dma_wait3A_52, %dma_wait3A_63, %dma_wait3A_64] : memref<4x128x128xf32, #tpu.memory_space<vmem>> -> memref<1x128x128xf32, #tpu.memory_space<vmem>>
    %dma_wait3A_66 = tpu.memref_squeeze %dma_wait3A_65 : memref<1x128x128xf32, #tpu.memory_space<vmem>> -> memref<128x128xf32, #tpu.memory_space<vmem>>
    tpu.wait_dma2 semaphore(%arg9 : memref<!tpu.dma_semaphore, #tpu.memory_space<semaphore_mem>>) src(%dma_wait3A_66 : memref<128x128xf32, #tpu.memory_space<vmem>>) dst(%dma_wait3A_62 : memref<128x128xf32, #tpu.memory_space<hbm>>)
    return
  }
}

</mosaic_0001>

<sc_bundles>
// kernel: _sc_gather.3.cloned.1.call-start
scs
__scs_entry_jumppad:
0x0: {  	(pc) =	sbr.rel $0x88, $3  }
0x1: {  	(tag) =	ssettag $0x0;
	lr =	simm.s32 $0x1  }
0x2: {  	[smem:$0x3F9F] =	sst lr;
	_ =	strace $0xD0000000  }
0x3: {  	_ = 	snop  }
0x4: {  	_ = 	snop  }
0x5: {  	_ = 	snop  }
0x6: {  	_ = 	snop  }
0x7: {  	_ = 	snop  }
__scs_overlays_trampoline_lowered:
0x8: {  	[smem:$0x3FAE] =	sst s0  }
0x9: {  	[smem:$0x3FAF] =	sst s1  }
0xa: {  	[smem:$0x3FB0] =	sst s2  }
0xb: {  	[smem:$0x3FB1] =	sst s3  }
0xc: {  	[smem:$0x3FB2] =	sst s4  }
0xd: {  	[smem:$0x3FB3] =	sst s5  }
0xe: {  	[smem:$0x3FB4] =	sst s6  }
0xf: {  	[smem:$0x3FB5] =	sst s7  }
0x10: {  	[smem:$0x3FB6] =	sst s8  }
0x11: {  	[smem:$0x3FB7] =	sst s9;
	s0 =	simm.s32 @!p0 $0x0  }
0x12: {  	s1 =	sld [smem:$0x3F9D];
	s0 =	simm.s32 @p0 $0x1  }
0x13: {  	[smem:$0x3FB8] =	sst s0;
	s0 =	simm.s32 @!p1 $0x0  }
0x14: {  	s2 =	sld [smem:$0x3F9C];
	s0 =	simm.s32 @p1 $0x1  }
0x15: {  	[smem:$0x3FB9] =	sst s0;
	s0 =	simm.s32 @!p2 $0x0  }
0x16: {  	s3 =	sld [smem:$0x3FDB];
	s0 =	simm.s32 @p2 $0x1  }
0x17: {  	s4 =	simm.s32 $0x1BF5;
	[smem:$0x3FBB] =	sst s0  }
0x18: {  	s0 =	sld [smem:$0x3F9E];
	_ =	swait.ge [sflag:s4], $0x0  }
0x19: {  	s7 =	sld [smem:$0x3F9F]  }
0x1a: {  	s8 =	sadd.s32 $0xFFFFE003, lr  }
0x1b: {  	s9 =	sadd.s32 $0xFFFFFEF7, lr;
	s5 =	simm.s32 $0xFFFFFFFF;
	p2 =	slt.u32 s8, $0xFFFFF086  }
0x1c: {  	p1 =	slt.u32 s9, $0xF7A;
	s5 =	simm.s32 @!p2 $0x0  }
0x1d: {  	s5 =	simm.s32 @p1 $0x1;
	p0 =	seq.s32 s7, s2  }
0x1e: {  	s7 =	smul.u32 @!p0 $0xF7A, s2;
	p2 =	seq.s32 @!p0 s5, $0x0  }
0x1f: {  	s9 =	smul.u32 $0xF7A, s1;
	s8 =	simm.s32 @!p0 $0x1BF5;
	p2 =	por !p2, p0  }
0x20: {  	[sflag:s8] =	ssyncset.s32 @!p0 $0xFFFFF086;
	s6 =	sadd.s32 @!p0 s3, s7;
	s7 =	simm.s32 @!p0 $0x108  }
0x21: {  	s3 =	sadd.s32 s3, s9;
	s6 =	sadd.s32 @!p0 $0x88, s6;
	s7 =	simm.s32 @p2 $0x1082  }
0x22: {  	[simem:s7], [sflag:s8] =	dma.local @!p0 [hbm:s6], $0xF7A  }
0x23: {  	s9 =	sor.u32 $0xD0000000, s2;
	s6 =	simm.s32 $0x108;
	_ =	swait.ge @!p0 [sflag:s8], $0x0  }
0x24: {  	s3 =	sadd.s32 $0x88, s3;
	s6 =	simm.s32 @!p1 $0x1082;
	[sflag:s4] =	ssyncset.s32 $0xFFFFF086  }
0x25: {  	[simem:s6], [sflag:s4] =	dma.local [hbm:s3], $0xF7A  }
0x26: {  	[smem:$0x3F9F] =	sst s1;
	(tag) =	ssettag s2;
	_ =	strace s9  }
0x27: {  	s1 =	sld [smem:$0x3FAF]  }
0x28: {  	s2 =	sld [smem:$0x3FB0]  }
0x29: {  	s4 =	sld [smem:$0x3FB2]  }
0x2a: {  	p0 =	seq.s32 s5, $0x0;
	s5 =	sld [smem:$0x3FB3]  }
0x2b: {  	s6 =	sld [smem:$0x3FB4]  }
0x2c: {  	s7 =	sld [smem:$0x3FB5]  }
0x2d: {  	s3 =	simm.s32 $0x108;
	s8 =	sld [smem:$0x3FB6]  }
0x2e: {  	s3 =	simm.s32 @!p0 $0x1082;
	s9 =	sld [smem:$0x3FB7]  }
0x2f: {  	lr =	sadd.s32 s0, s3;
	s0 =	sld [smem:$0x3FAE]  }
0x30: {  	s3 =	sld [smem:$0x3FB1]  }
0x31: {  	[smem:$0x3FBA] =	sst s10  }
0x32: {  	s10 =	sld [smem:$0x3FB8];
	_ =	sdelay $0x3  }
0x33: {  	p0 =	seq.s32 s10, $0x1;
	s10 =	sld [smem:$0x3FBA];
	_ =	sdelay $0x3  }
0x34: {  	[smem:$0x3FBA] =	sst s10  }
0x35: {  	s10 =	sld [smem:$0x3FB9];
	_ =	sdelay $0x3  }
0x36: {  	p1 =	seq.s32 s10, $0x1;
	s10 =	sld [smem:$0x3FBA];
	_ =	sdelay $0x3  }
0x37: {  	[smem:$0x3FBA] =	sst s10  }
0x38: {  	s10 =	sld [smem:$0x3FBB]  }
0x39: {  	_ = 	snop;
	(pc) =	sbr.ind lr, $3  }
0x3a: {  	_ = 	snop  }
0x3b: {  	_ = 	snop  }
0x3c: {  	p2 =	seq.s32 s10, $0x1;
	s10 =	sld [smem:$0x3FBA]  }
0x3d: {  	_ =	shalt  }
0x3e: {  	_ =	shalt  }
0x3f: {  	_ =	shalt  }
0x40: {  	_ =	shalt  }
0x41: {  	_ =	shalt  }
0x42: {  	_ =	shalt  }
0x43: {  	_ =	shalt  }
0x44: {  	_ =	shalt  }
0x45: {  	_ =	shalt  }
0x46: {  	_ =	shalt  }
0x47: {  	_ =	shalt  }
0x48: {  	_ =	shalt  }
0x49: {  	_ =	shalt  }
0x4a: {  	_ =	shalt  }
0x4b: {  	_ =	shalt  }
0x4c: {  	_ =	shalt  }
0x4d: {  	_ =	shalt  }
0x4e: {  	_ =	shalt  }
0x4f: {  	_ =	shalt  }
0x50: {  	_ =	shalt  }
0x51: {  	_ =	shalt  }
0x52: {  	_ =	shalt  }
0x53: {  	_ =	shalt  }
0x54: {  	_ =	shalt  }
0x55: {  	_ =	shalt  }
0x56: {  	_ =	shalt  }
0x57: {  	_ =	shalt  }
0x58: {  	_ =	shalt  }
0x59: {  	_ =	shalt  }
0x5a: {  	_ =	shalt  }
0x5b: {  	_ =	shalt  }
0x5c: {  	_ =	shalt  }
0x5d: {  	_ =	shalt  }
0x5e: {  	_ =	shalt  }
0x5f: {  	_ =	shalt  }
0x60: {  	_ =	shalt  }
0x61: {  	_ =	shalt  }
0x62: {  	_ =	shalt  }
0x63: {  	_ =	shalt  }
0x64: {  	_ =	shalt  }
0x65: {  	_ =	shalt  }
0x66: {  	_ =	shalt  }
0x67: {  	_ =	shalt  }
0x68: {  	_ =	shalt  }
0x69: {  	_ =	shalt  }
0x6a: {  	_ =	shalt  }
0x6b: {  	_ =	shalt  }
0x6c: {  	_ =	shalt  }
0x6d: {  	_ =	shalt  }
0x6e: {  	_ =	shalt  }
0x6f: {  	_ =	shalt  }
0x70: {  	_ =	shalt  }
0x71: {  	_ =	shalt  }
0x72: {  	_ =	shalt  }
0x73: {  	_ =	shalt  }
0x74: {  	_ =	shalt  }
0x75: {  	_ =	shalt  }
0x76: {  	_ =	shalt  }
0x77: {  	_ =	shalt  }
0x78: {  	_ =	shalt  }
0x79: {  	_ =	shalt  }
0x7a: {  	_ =	shalt  }
0x7b: {  	_ =	shalt  }
0x7c: {  	_ =	shalt  }
0x7d: {  	_ =	shalt  }
0x7e: {  	_ =	shalt  }
0x7f: {  	_ =	shalt  }
0x80: {  	_ =	shalt  }
0x81: {  	_ =	shalt  }
0x82: {  	_ =	shalt  }
0x83: {  	_ =	shalt  }
0x84: {  	_ =	shalt  }
0x85: {  	_ =	shalt  }
0x86: {  	_ =	shalt  }
0x87: {  	_ =	shalt  }
.Lfunc_end0:
.L_simem_size_0:
called_computation_lowered:
.L_overlay_start_0:
0x88: {  	s2 =	sld [smem:$0x3FD9]  }
0x89: {  	s3 =	sld [smem:$0x3FFE];
	_ =	sdelay $0x1  }
0x8a: {  	s1 =	srdreg.scid  }
0x8b: {  	s0 =	sand.u32 $0x1, s1  }
0x8c: {  	s18 =	sshll.u32 s0, $0xA;
	s2 =	sadd.s32 s3, s2  }
0x8d: {  	s2 =	sadd.s32 s2, s18  }
0x8e: {  	[smem:$0x3FC6] =	sst s2  }
0x8f: {  	_ = 	snop  }
0x90: {  	s2 =	sld [smem:$0x3FC9]  }
0x91: {  	s19 =	sld [smem:$0x3FC8]  }
0x92: {  	s4 =	sld [smem:$0x3FD0];
	(tm) =	ssettm $0x1  }
0x93: {  	s5 =	sld [smem:$0x3FFB];
	_ =	sdelay $0x3  }
0x94: {  	_ =	strace s5  }
0x95: {  	s5 =	sld [smem:$0x3FFC];
	_ =	sdelay $0x3  }
0x96: {  	_ =	strace s5  }
0x97: {  	s5 =	sld [smem:$0x3FFD];
	_ =	sdelay $0x3  }
0x98: {  	_ =	strace s5  }
0x99: {  	_ =	strace $0x8FFFFFFF  }
0x9a: {  	s20 =	sld [smem:$0x3FDB];
	_ =	sdelay $0x1  }
0x9b: {  	s6 =	simm.s32 $_scs_section_size  }
0x9c: {  	s7 =	simm.s32 $_size__tile_overlayer_lowered;
	s8 =	simm.s32 $_tile_overlayer_lowered  }
0x9d: {  	s23 =	simm.s32 $0x1BFF;
	s22 =	sshll.u32 s8, $0x1;
	s5 =	sadd.s32 s6, s20  }
0x9e: {  	s9 =	simm.s32 $0x0;
	s21 =	sshll.u32 s7, $0x1;
	s7 =	sadd.s32 s22, s5  }
0x9f: {  	[timem:s9], [sflag:s23] =	dma.local [hbm:s7], s21  }
0xa0: {  	_ =	swait.ge [sflag:s23], s21  }
0xa1: {  	s6 =	ssub.s32 $0x0, s21;
	[sflag:s23] =	ssyncset.done $0x0  }
0xa2: {  	[sflag:s23] =	ssyncadd.s32 s6;
	_ =	sdelay $0x1  }
0xa3: {  	s24 =	simm.s32 $0x1B8B  }
0xa4: {  	_ =	swait.ge [sflag:s24], $0x1  }
0xa5: {  	[sflag:s24] =	ssyncset.done $0x0  }
0xa6: {  	s25 =	simm.s32 $0x1B8E;
	[sflag:s24] =	ssyncadd.s32 $0xFFFFFFFF  }
0xa7: {  	s26 =	simm.s32 $execute0_lowered;
	[smem:$0x3FD2] =	sst s25  }
0xa8: {  	s6 =	sshll.u32 s26, $0x1;
	_ =	strace $0x80000046;
	[dreg:$0x1] =	wrdreg $0xFFFFFFFF  }
0xa9: {  	s28 =	simm.s32 $_size_execute0_lowered;
	s5 =	sadd.s32 s5, s6;
	[dreg:$0x0] =	wrdreg $0x0  }
0xaa: {  	s6 =	sshll.u32 s28, $0x1;
	[dreg:$0x2] =	wrdreg s5  }
0xab: {  	[dreg:$0x3] =	wrdreg s6  }
0xac: {  	[dreg:$0x4] =	wrdreg $0xC0  }
0xad: {  	_ =	task [dreg:s9], $0x5FFFF  }
0xae: {  	[dreg:$0x1] =	wrdreg $0xFFFFFFFF  }
0xaf: {  	[dreg:$0x0] =	wrdreg $0x60  }
0xb0: {  	[dreg:$0x2] =	wrdreg s2  }
0xb1: {  	[dreg:$0x3] =	wrdreg s19  }
0xb2: {  	[dreg:$0x4] =	wrdreg s4  }
0xb3: {  	[dreg:$0x5] =	wrdreg $0x164000  }
0xb4: {  	[dreg:$0x6] =	wrdreg $0x9  }
0xb5: {  	_ =	task.clear_ibuf [dreg:s9], $0x7FFFF;
	_ =	strace $0x90000046  }
0xb6: {  	s29 =	simm.s32 $0x9;
	_ =	strace $0x80000048  }
0xb7: {  	_ =	swait.ge [sflag:s29], $0x1  }
0xb8: {  	[sflag:s29] =	ssyncadd.s32 $0xFFFFFFFF  }
0xb9: {  	_ =	strace $0x90000048  }
0xba: {  	_ =	sfence  }
0xbb: {  	s30 =	sld [smem:$0x0];
	_ =	sdelay $0x2  }
0xbc: {  	s31 =	sshll.u32 s1, $0xD;
	s1 =	sshrl.u32 s1, $0x2  }
0xbd: {  	s3 =	sand.u32 $0x4000, s31;
	s1 =	sadd.s32 s1, s30  }
0xbe: {  	s0 =	sor.u32 s3, s0;
	s1 =	sshll.u32 s1, $0x11  }
0xbf: {  	s0 =	sor.u32 s1, s0  }
0xc0: {  	s0 =	sadd.s32 $0x8F2B, s0  }
0xc1: {  	[sflag:s0] =	ssyncadd.remote.s32 $0x1  }
0xc2: {  	_ =	sfence.sel $0xFFFF  }
0xc3: {  	[dreg:$0x0] =	wrdreg $0xFFFFFFFF;
	(pc) =	sbr.abs _section_cstart, $3  }
0xc4: {  	[dreg:$0x1] =	wrdreg $0xFFFFFFFF  }
0xc5: {  	_ =	task.clear_ibuf [dreg:s9], $0x2FFFF;
	_ =	strace $0x9FFFFFFF  }
0xc6: {  	(tm) =	ssettm $0x7FFFFFFF  }
0xc7: {  	_ =	shalt  }
tec
execute0_lowered:
.L_overlay_start_1:
0x0: {  	(tag) =	ssettag $0x1  }
0x1: {  	s4 =	rddreg [dreg:$0x0]  }
0x2: {  	s1 =	rddreg [dreg:$0x1]  }
0x3: {  	s9 =	rddreg [dreg:$0x2]  }
0x4: {  	s2 =	rddreg [dreg:$0x3]  }
0x5: {  	s0 =	rddreg [dreg:$0x4]  }
0x6: {  	s3 =	simm.s32 $0x0;
	s5 =	srdreg.scid;
	s8 =	stileid.u32  }
0x7: {  	s12 =	simm.s32 $0x80;
	s13 =	simm.s32 $0x6400;
	s14 =	simm.s32 $0xA400  }
0x8: {  	s15 =	simm.s32 $0x1;
	s16 =	simm.s32 $0xE400;
	s17 =	simm.s32 $0x12400  }
0x9: {  	s18 =	simm.s32 $0x2;
	s19 =	simm.s32 $0x0;
	s5 =	sand.u32 $0x1, s5  }
0xa: {  	s6 =	sshll.u32 s8, $0x1;
	s7 =	smul.u32 $0x640000, s8;
	[smem:$0x7FF] =	sst s3  }
0xb: {  	s10 =	ssub.s32 $0x2, s5;
	s6 =	sor.u32 s5, s6;
	s5 =	smul.u32 $0x320000, s5  }
0xc: {  	p0 =	sne.s32 s8, $0x0;
	s11 =	sshrl.u32 s10, $0x1;
	s6 =	smul.u32 $0xC80, s6  }
0xd: {  	_ =	strace $0x80000047;
	s10 =	ssub.s32 s10, s11;
	s29 =	sadd.s32 s5, s7  }
0xe: {  	s4 =	sadd.s32 s4, s6;
	s30 =	sshrl.u32 s29, $0x3;
	s7 =	sor.u32 $0xC000, s29  }
0xf: {  	s5 =	smax.u32 s10, $0x1;
	s31 =	sor.u32 $0x8000, s29;
	s11 =	sor.u32 $0x4000, s29  }
0x10: {  	s6 =	sadd.s32 s30, s9;
	s7 =	sshrl.u32 s7, $0x3;
	s10 =	sshrl.u32 s31, $0x3  }
0x11: {  	s11 =	sshrl.u32 s11, $0x3;
	s7 =	sadd.s32 s7, s9;
	s8 =	sadd.s32 s10, s9  }
0x12: {  	s9 =	sadd.s32 s11, s9;
	s10 =	sshrl.u32 @!p0 s2, $0x3;
	s11 =	simm.s32 $0x3  }
.LBB2_1:
0x13: {  	s20 =	simm.s32 @!p0 $0x1C03  }
0x14: {  	[spmem:s10], [sflag:s20] =	dma.local @!p0 [hbm:s1], $0x1F40  }
0x15: {  	s20 =	simm.s32 @!p0 $0x3  }
0x16: {  	_ =	swait.ge @!p0 [sflag:s20], $0x1F40  }
0x17: {  	[sflag:s20] =	ssyncset.done @!p0 $0x0  }
0x18: {  	[sflag:s20] =	ssyncadd.s32 @!p0 $0xFFFFE0C0  }
0x19: {  	[bflag:$0x0] =	sbarrier.arrive $0xFFFF  }
0x1a: {  	[tilespmem:s3], [sflag:$0x3] =	stream.linear.gather [hbm4b:s4+s3], $0x6400, $0x38;
	[tilespmem:$0x173A0] =	vst v63  }
0x1b: {  	p1 =	por $0x1, $0x1;
	_ =	swait.ge [sflag:s11], $0x6400  }
0x1c: {  	p1 =	por p1, p1;
	[sflag:s11] =	ssyncset.done $0x0  }
0x1d: {  	s20 =	simm.s32 @!p1 $0x2;
	[sflag:s11] =	ssyncadd.s32 $0xFFFF9C00  }
0x1e: {  	[tilespmem:s13], [sflag:$0x1] =	stream.indirect.gather [spmem:s2], $0x80, s3, s12, $0xb8;
	[tilespmem:$0x173A0] =	vst v63  }
0x1f: {  	_ =	swait.ge @!p1 [sflag:s20], $0x4000  }
0x20: {  	[sflag:s20] =	ssyncset.done @!p1 $0x0  }
0x21: {  	s21 =	simm.s32 $0x80;
	[sflag:s20] =	ssyncadd.s32 @!p1 $0xFFFFC000  }
0x22: {  	[tilespmem:s14], [sflag:$0x1] =	stream.indirect.gather [spmem:s2], $0x80, s21, s12, $0xb8;
	[tilespmem:$0x173A0] =	vst v63  }
0x23: {  	_ =	swait.ge [sflag:s15], $0x4000  }
0x24: {  	[sflag:s15] =	ssyncset.done $0x0  }
0x25: {  	[sflag:s15] =	ssyncadd.s32 $0xFFFFC000  }
0x26: {  	[hbm4b:s6+s3] =	stream.linear.scatter [tilespmem:s13], [sflag:$0x2], $0x4000, $0x38;
	[tilespmem:$0x173A0] =	vst v63  }
0x27: {  	_ =	swait.ge @!p1 [sflag:s20], $0x4000  }
0x28: {  	[sflag:s20] =	ssyncset.done @!p1 $0x0  }
0x29: {  	s30 =	simm.s32 $0x100;
	[sflag:s20] =	ssyncadd.s32 @!p1 $0xFFFFC000  }
0x2a: {  	[tilespmem:s16], [sflag:$0x1] =	stream.indirect.gather [spmem:s2], $0x80, s30, s12, $0xb8;
	[tilespmem:$0x173A0] =	vst v63  }
0x2b: {  	_ =	swait.ge [sflag:s15], $0x4000  }
0x2c: {  	[sflag:s15] =	ssyncset.done $0x0  }
0x2d: {  	[sflag:s15] =	ssyncadd.s32 $0xFFFFC000  }
0x2e: {  	[hbm4b:s9+s3] =	stream.linear.scatter [tilespmem:s14], [sflag:$0x2], $0x4000, $0x38;
	[tilespmem:$0x173A0] =	vst v63  }
0x2f: {  	_ =	swait.ge @!p1 [sflag:s20], $0x4000  }
0x30: {  	[sflag:s20] =	ssyncset.done @!p1 $0x0  }
0x31: {  	s31 =	simm.s32 $0x180;
	[sflag:s20] =	ssyncadd.s32 @!p1 $0xFFFFC000  }
0x32: {  	[tilespmem:s17], [sflag:$0x1] =	stream.indirect.gather [spmem:s2], $0x80, s31, s12, $0xb8;
	[tilespmem:$0x173A0] =	vst v63  }
0x33: {  	_ =	swait.ge [sflag:s15], $0x4000  }
0x34: {  	[sflag:s15] =	ssyncset.done $0x0  }
0x35: {  	p2 =	por $0x0, $0x0;
	[sflag:s15] =	ssyncadd.s32 $0xFFFFC000  }
0x36: {  	[hbm4b:s8+s3] =	stream.linear.scatter [tilespmem:s16], [sflag:$0x2], $0x4000, $0x38;
	[tilespmem:$0x173A0] =	vst v63  }
0x37: {  	s25 =	simm.s32 $0x1000;
	p1 =	por $0x0, $0x0;
	_ =	swait.ge [sflag:s18], $0x4000  }
0x38: {  	s24 =	sadd.s32 $0x2000, s6;
	s20 =	simm.s32 @!p1 $0x6400;
	[sflag:s18] =	ssyncset.done $0x0  }
0x39: {  	s22 =	simm.s32 @!p1 $0x200;
	s23 =	simm.s32 @!p1 $0x80;
	[sflag:s18] =	ssyncadd.s32 $0xFFFFC000  }
0x3a: {  	[tilespmem:s20], [sflag:$0x1] =	stream.indirect.gather @!p1 [spmem:s2], $0x80, s22, s23, $0xb8;
	[tilespmem:$0x173A0] =	vst v63  }
0x3b: {  	s26 =	smov.u32 s7;
	s21 =	simm.s32 $0x800;
	_ =	swait.ge [sflag:s15], $0x4000  }
0x3c: {  	p1 =	por p2, p2;
	s22 =	sadd.s32 $0x2000, s8;
	[sflag:s15] =	ssyncset.done $0x0  }
0x3d: {  	s23 =	sadd.s32 $0x2000, s9;
	s20 =	sadd.s32 $0x2000, s7;
	[sflag:s15] =	ssyncadd.s32 $0xFFFFC000  }
.LBB2_2:
0x3e: {  	[hbm4b:s26+s3] =	stream.linear.scatter [tilespmem:s17], [sflag:$0x2], $0x4000, $0x38;
	[tilespmem:$0x173A0] =	vst v63  }
0x3f: {  	s28 =	smov.u32 s25;
	s26 =	smov.u32 s20  }
0x40: {  	s25 =	sadd.s32 $0x800, s25;
	s29 =	simm.s32 @!p1 $0x2;
	p3 =	seq.s32 s28, $0x0  }
0x41: {  	p2 =	sne.s32 s25, $0x19000;
	_ =	swait.ge @!p1 [sflag:s29], $0x4000  }
0x42: {  	s30 =	sshra.s32 s21, $0x2;
	[sflag:s29] =	ssyncset.done @!p1 $0x0  }
0x43: {  	s31 =	sadd.s32 $0x80, s30;
	[sflag:s29] =	ssyncadd.s32 @!p1 $0xFFFFC000  }
0x44: {  	[tilespmem:s14], [sflag:$0x1] =	stream.indirect.gather [spmem:s2], $0x80, s31, s12, $0xb8;
	[tilespmem:$0x173A0] =	vst v63  }
0x45: {  	_ =	swait.ge [sflag:s15], $0x4000  }
0x46: {  	[sflag:s15] =	ssyncset.done $0x0  }
0x47: {  	[sflag:s15] =	ssyncadd.s32 $0xFFFFC000  }
0x48: {  	[hbm4b:s24+s3] =	stream.linear.scatter [tilespmem:s13], [sflag:$0x2], $0x4000, $0x38;
	[tilespmem:$0x173A0] =	vst v63  }
0x49: {  	_ =	swait.ge @!p1 [sflag:s29], $0x4000  }
0x4a: {  	[sflag:s29] =	ssyncset.done @!p1 $0x0  }
0x4b: {  	s31 =	sadd.s32 $0x100, s30;
	[sflag:s29] =	ssyncadd.s32 @!p1 $0xFFFFC000  }
0x4c: {  	[tilespmem:s16], [sflag:$0x1] =	stream.indirect.gather [spmem:s2], $0x80, s31, s12, $0xb8;
	[tilespmem:$0x173A0] =	vst v63  }
0x4d: {  	_ =	swait.ge [sflag:s15], $0x4000  }
0x4e: {  	[sflag:s15] =	ssyncset.done $0x0  }
0x4f: {  	[sflag:s15] =	ssyncadd.s32 $0xFFFFC000  }
0x50: {  	[hbm4b:s23+s3] =	stream.linear.scatter [tilespmem:s14], [sflag:$0x2], $0x4000, $0x38;
	[tilespmem:$0x173A0] =	vst v63  }
0x51: {  	_ =	swait.ge @!p1 [sflag:s29], $0x4000  }
0x52: {  	[sflag:s29] =	ssyncset.done @!p1 $0x0  }
0x53: {  	[sflag:s29] =	ssyncadd.s32 @!p1 $0xFFFFC000;
	s29 =	sadd.s32 $0x180, s30;
	p1 =	por p3, p3  }
0x54: {  	[tilespmem:s17], [sflag:$0x1] =	stream.indirect.gather [spmem:s2], $0x80, s29, s12, $0xb8;
	[tilespmem:$0x173A0] =	vst v63  }
0x55: {  	_ =	swait.ge [sflag:s15], $0x4000  }
0x56: {  	[sflag:s15] =	ssyncset.done $0x0  }
0x57: {  	p3 =	seq.s32 s21, $0x18800;
	[sflag:s15] =	ssyncadd.s32 $0xFFFFC000  }
0x58: {  	[hbm4b:s22+s3] =	stream.linear.scatter [tilespmem:s16], [sflag:$0x2], $0x4000, $0x38;
	[tilespmem:$0x173A0] =	vst v63  }
0x59: {  	s21 =	sshra.s32 @!p3 s21, $0x2;
	_ =	swait.ge [sflag:s18], $0x4000  }
0x5a: {  	s29 =	simm.s32 @!p3 $0x6400;
	s30 =	simm.s32 @!p3 $0x80;
	[sflag:s18] =	ssyncset.done $0x0  }
.Ltmp0:
0x5b: {  	s21 =	sadd.s32 @!p3 $0x200, s21;
	[sflag:s18] =	ssyncadd.s32 $0xFFFFC000;
	(pc) =	sbr.rel @p2 .LBB2_2-.Ltmp0, $4  }
0x5c: {  	[tilespmem:s29], [sflag:$0x1] =	stream.indirect.gather @!p3 [spmem:s2], $0x80, s21, s30, $0xb8;
	[tilespmem:$0x173A0] =	vst v63  }
0x5d: {  	s21 =	smov.u32 s28;
	_ =	swait.ge [sflag:s15], $0x4000  }
0x5e: {  	s23 =	sadd.s32 $0x2000, s23;
	s22 =	sadd.s32 $0x2000, s22;
	[sflag:s15] =	ssyncset.done $0x0  }
0x5f: {  	s20 =	sadd.s32 $0x2000, s20;
	s24 =	sadd.s32 $0x2000, s24;
	[sflag:s15] =	ssyncadd.s32 $0xFFFFC000  }
0x60: {  	[hbm4b:s26+s3] =	stream.linear.scatter [tilespmem:s17], [sflag:$0x2], $0x4000, $0x38;
	[tilespmem:$0x173A0] =	vst v63  }
0x61: {  	s25 =	simm.s32 @!p1 $0x2  }
0x62: {  	_ =	swait.ge @!p1 [sflag:s25], $0x4000  }
0x63: {  	s29 =	sshra.s32 s21, $0x2;
	[sflag:s25] =	ssyncset.done @!p1 $0x0  }
0x64: {  	s28 =	sadd.s32 $0x80, s29;
	[sflag:s25] =	ssyncadd.s32 @!p1 $0xFFFFC000  }
0x65: {  	[tilespmem:s14], [sflag:$0x1] =	stream.indirect.gather [spmem:s2], $0x80, s28, s12, $0xb8;
	[tilespmem:$0x173A0] =	vst v63  }
0x66: {  	_ =	swait.ge [sflag:s15], $0x4000  }
0x67: {  	[sflag:s15] =	ssyncset.done $0x0  }
0x68: {  	[sflag:s15] =	ssyncadd.s32 $0xFFFFC000  }
0x69: {  	[hbm4b:s24+s3] =	stream.linear.scatter [tilespmem:s13], [sflag:$0x2], $0x4000, $0x38;
	[tilespmem:$0x173A0] =	vst v63  }
0x6a: {  	_ =	swait.ge @!p1 [sflag:s25], $0x4000  }
0x6b: {  	[sflag:s25] =	ssyncset.done @!p1 $0x0  }
0x6c: {  	s30 =	sadd.s32 $0x100, s29;
	[sflag:s25] =	ssyncadd.s32 @!p1 $0xFFFFC000  }
0x6d: {  	[tilespmem:s16], [sflag:$0x1] =	stream.indirect.gather [spmem:s2], $0x80, s30, s12, $0xb8;
	[tilespmem:$0x173A0] =	vst v63  }
0x6e: {  	_ =	swait.ge [sflag:s15], $0x4000  }
0x6f: {  	[sflag:s15] =	ssyncset.done $0x0  }
0x70: {  	[sflag:s15] =	ssyncadd.s32 $0xFFFFC000  }
0x71: {  	[hbm4b:s23+s3] =	stream.linear.scatter [tilespmem:s14], [sflag:$0x2], $0x4000, $0x38;
	[tilespmem:$0x173A0] =	vst v63  }
0x72: {  	_ =	swait.ge @!p1 [sflag:s25], $0x4000  }
0x73: {  	[sflag:s25] =	ssyncset.done @!p1 $0x0  }
0x74: {  	s31 =	sadd.s32 $0x180, s29;
	[sflag:s25] =	ssyncadd.s32 @!p1 $0xFFFFC000  }
0x75: {  	[tilespmem:s17], [sflag:$0x1] =	stream.indirect.gather [spmem:s2], $0x80, s31, s12, $0xb8;
	[tilespmem:$0x173A0] =	vst v63  }
0x76: {  	_ =	swait.ge [sflag:s15], $0x4000  }
0x77: {  	[sflag:s15] =	ssyncset.done $0x0  }
0x78: {  	[sflag:s15] =	ssyncadd.s32 $0xFFFFC000  }
0x79: {  	[hbm4b:s22+s3] =	stream.linear.scatter [tilespmem:s16], [sflag:$0x2], $0x4000, $0x38;
	[tilespmem:$0x173A0] =	vst v63  }
0x7a: {  	p1 =	seq.s32 s21, $0x18800;
	_ =	swait.ge [sflag:s18], $0x4000  }
0x7b: {  	s21 =	sshra.s32 @!p1 s21, $0x2;
	s23 =	simm.s32 @!p1 $0x80;
	[sflag:s18] =	ssyncset.done $0x0  }
0x7c: {  	s21 =	sadd.s32 @!p1 $0x200, s21;
	s22 =	simm.s32 @!p1 $0x6400;
	[sflag:s18] =	ssyncadd.s32 $0xFFFFC000  }
0x7d: {  	[tilespmem:s22], [sflag:$0x1] =	stream.indirect.gather @!p1 [spmem:s2], $0x80, s21, s23, $0xb8;
	[tilespmem:$0x173A0] =	vst v63  }
0x7e: {  	_ =	swait.ge [sflag:s15], $0x4000  }
0x7f: {  	[sflag:s15] =	ssyncset.done $0x0  }
0x80: {  	[sflag:s15] =	ssyncadd.s32 $0xFFFFC000  }
0x81: {  	[hbm4b:s20+s3] =	stream.linear.scatter [tilespmem:s17], [sflag:$0x2], $0x4000, $0x38;
	[tilespmem:$0x173A0] =	vst v63  }
0x82: {  	_ =	swait.ge [sflag:s18], $0x4000  }
0x83: {  	[sflag:s18] =	ssyncset.done $0x0  }
0x84: {  	s19 =	sadd.s32 $0x1, s19;
	[sflag:s18] =	ssyncadd.s32 $0xFFFFC000  }
0x85: {  	p1 =	sne.s32 s19, s5;
	_ =	swait.ge [sflag:s18], $0x4000  }
.Ltmp1:
0x86: {  	[sflag:s18] =	ssyncset.done $0x0;
	(pc) =	sbr.rel @p1 .LBB2_1-.Ltmp1, $4  }
0x87: {  	[sflag:s18] =	ssyncadd.s32 $0xFFFFC000  }
0x88: {  	_ =	swait.ge [sflag:s18], $0x4000  }
0x89: {  	[sflag:s18] =	ssyncset.done $0x0  }
0x8a: {  	[sflag:s18] =	ssyncadd.s32 $0xFFFFC000  }
0x8b: {  	_ =	sfence.sel $0x180000  }
0x8c: {  	[bflag:$0x0] =	sbarrier.arrive $0xFFFF  }
0x8d: {  	_ =	strace $0x90000047  }
0x8e: {  	s0 =	sadd.s32 @!p0 $0x100000, s0;
	[bflag:$0x2] =	sbarrier.arrive $0xFFFF  }
0x8f: {  	[sflag:s0] =	ssyncadd.tile.s32 @!p0 $0x1;
	_ =	shalt  }
.Lfunc_end2:
_tile_overlayer_lowered:
.L_overlay_start_2:
0x90: {  	(tag) =	ssettag $0x2  }
0x91: {  	s0 =	rddreg [dreg:$0x0];
	s2 =	stileid.u32  }
0x92: {  	s1 =	rddreg [dreg:$0x1];
	p0 =	sne.s32 s2, $0x0  }
0x93: {  	s3 =	rddreg [dreg:$0x2];
	[bflag:$0x3] =	sbarrier.arrive $0xFFFF;
	s2 =	simm.s32 @!p0 $0x1C03  }
0x94: {  	[timem:s3], [sflag:s2] =	dma.local @!p0 [hbm:s0], s1  }
0x95: {  	s0 =	simm.s32 @!p0 $0x3  }
0x96: {  	_ =	swait.ge @!p0 [sflag:s0], s1  }
0x97: {  	s1 =	ssub.s32 @!p0 $0x0, s1;
	[sflag:s0] =	ssyncset.done @!p0 $0x0  }
0x98: {  	[sflag:s0] =	ssyncadd.s32 @!p0 s1  }
0x99: {  	[bflag:$0x3] =	sbarrier.arrive $0xFFFF  }
0x9a: {  	_ =	shalt  }

</sc_bundles>
